<compile_context>
chip_gen: v7x
topology: tpu7x:2x2x1
jax: 0.10.2.dev20260603
libtpu: 0.0.44.dev20260713+nightly
codegen_flags: <defaults>
</compile_context>

<pallas_src>
import dataclasses
import functools

import jax
import jax.numpy as jnp
from jax import lax
from jax.experimental import pallas as pl
from jax.experimental.pallas import tpu as pltpu
from jax.experimental.pallas import tpu_sc as plsc

B = 4096
L = 200
D = 32
V = 1000000
NW = 32
BPW = B // NW
IPW = BPW * L

TC_BLK = 65536
TC_GRID = -(-V // TC_BLK)
VP = TC_GRID * TC_BLK


def _tw_kernel(w_ref, t_ref, o_ref):
    r = jax.lax.dot_general(
        w_ref[...], t_ref[...],
        dimension_numbers=(((1,), (0,)), ((), ())),
        preferred_element_type=jnp.float32)
    o_ref[...] = r.reshape(TC_BLK)


def _table_times_w(table_t, w_row):
    return pl.pallas_call(
        _tw_kernel,
        grid=(TC_GRID,),
        in_specs=[
            pl.BlockSpec((1, D), lambda i: (0, 0)),
            pl.BlockSpec((D, TC_BLK), lambda i: (0, i)),
        ],
        out_specs=pl.BlockSpec((TC_BLK,), lambda i: (i,)),
        out_shape=jax.ShapeDtypeStruct((VP,), jnp.float32),
    )(w_row, table_t)


def _sc_kernel(xt_hbm, tw_hbm, bias_hbm, out_hbm, idx_v, val_v, out_v,
               bias_v, sem):
    wid = lax.axis_index("s") * 2 + lax.axis_index("c")

    pltpu.sync_copy(bias_hbm, bias_v)
    pltpu.sync_copy(
        xt_hbm.at[pl.ds(0, L), pl.ds(wid * BPW, BPW)], idx_v)

    @pl.loop(0, L)
    def _fire(l):
        pltpu.make_async_copy(
            tw_hbm.at[idx_v.at[l]],
            val_v.at[pl.ds(l * BPW, BPW)], sem).start()

    pltpu.make_async_copy(tw_hbm.at[pl.ds(0, IPW)], val_v, sem).wait()

    biasv = bias_v[pl.ds(0, 16)]
    scale = 1.0 / L
    zero = jnp.zeros((16,), jnp.float32)

    def acc_body(l, accs):
        base = l * BPW
        return tuple(a + val_v[pl.ds(base + g * 16, 16)]
                     for g, a in enumerate(accs))

    accs = lax.fori_loop(0, L, acc_body, (zero,) * (BPW // 16), unroll=4)
    for g, a in enumerate(accs):
        out_v[pl.ds(g * 16, 16)] = a * scale + biasv

    pltpu.sync_copy(out_v, out_hbm.at[pl.ds(wid * BPW, BPW)])


def kernel(x, table, W, b):
    xt = x.T.astype(jnp.int32)
    w_row = W.reshape(1, D).astype(jnp.float32)
    tw = _table_times_w(table.T, w_row)
    bias16 = jnp.broadcast_to(b.astype(jnp.float32), (16,))

    mesh = plsc.VectorSubcoreMesh(core_axis_name="c", subcore_axis_name="s")
    cp = pltpu.CompilerParams()
    fields = pltpu.CompilerParams.__dataclass_fields__
    if "needs_layout_passes" in fields:
        cp = dataclasses.replace(cp, needs_layout_passes=False)
    if "use_tc_tiling_on_sc" in fields:
        cp = dataclasses.replace(cp, use_tc_tiling_on_sc=True)
    run = functools.partial(
        pl.kernel,
        compiler_params=cp,
        out_type=jax.ShapeDtypeStruct((B,), jnp.float32),
        mesh=mesh,
        scratch_types=[
            pltpu.VMEM((L, BPW), jnp.int32),
            pltpu.VMEM((IPW,), jnp.float32),
            pltpu.VMEM((BPW,), jnp.float32),
            pltpu.VMEM((16,), jnp.float32),
            pltpu.SemaphoreType.DMA,
        ],
    )(_sc_kernel)

    out = run(xt, tw, bias16)
    return out.reshape(B, 1)

# --- scband reference (transcript-rebuilt; emitter-appended) ---
"""Pipeline reference for scband-sentiment-model-61400852463839 (READ-ONLY COPY).

The authoritative reference and input builder live on the scoring server;
editing this copy changes nothing except your own understanding.
"""

import jax, jax.numpy as jnp
import numpy as np

VOCAB = 1000000
EMBED_DIM = 32
BATCH = 4096
HIST = 200

def setup_inputs(seed: int = 0) -> dict:
    key = jax.random.key(seed)
    k1, k2, k3, k4 = jax.random.split(key, 4)
    x = jax.random.randint(k1, (BATCH, HIST), 0, VOCAB, dtype=jnp.int64) if jax.config.jax_enable_x64 else jax.random.randint(k1, (BATCH, HIST), 0, VOCAB, dtype=jnp.int32)
    table = jax.random.normal(k2, (VOCAB, EMBED_DIM), dtype=jnp.float32)
    W = jax.random.normal(k3, (EMBED_DIM, 1), dtype=jnp.float32) * (1.0 / np.sqrt(EMBED_DIM))
    b = jax.random.normal(k4, (1,), dtype=jnp.float32) * 0.01
    return {"x": x, "table": table, "W": W, "b": b}

def reference(x, table, W, b):
    # embedding lookup: gather rows of the table
    emb = jnp.take(table, x, axis=0)          # [B, L, D]
    pooled = jnp.mean(emb, axis=1)            # [B, D]  (mean over sequence dim)
    out = pooled @ W + b                      # [B, 1]  (nn.Linear)
    return out

if __name__ == "__main__":
    import jax
    _d = setup_inputs()
    print(jax.jit(kernel)(*tuple(_d.values())))

</pallas_src>

<mosaic_0001>
#map = affine_map<(d0, d1) -> (0, 0)>
#map1 = affine_map<(d0, d1) -> (0)>
module attributes {stable_mosaic.version = 14 : i64} {
  func.func @_sc_kernel(%arg0: i32, %arg1: i32, %arg2: memref<200x4096xi32, #tpu.memory_space<hbm>>, %arg3: memref<1048576xf32, #tpu.memory_space<hbm>>, %arg4: memref<16xf32, #tpu.memory_space<hbm>>, %arg5: memref<4096xf32, #tpu.memory_space<hbm>>, %arg6: memref<200x128xi32, #tpu.memory_space<vmem>>, %arg7: memref<25600xf32, #tpu.memory_space<vmem>>, %arg8: memref<128xf32, #tpu.memory_space<vmem>>, %arg9: memref<16xf32, #tpu.memory_space<vmem>>, %arg10: memref<!tpu.dma_semaphore, #tpu.memory_space<semaphore_mem>>) attributes {dimension_semantics = [#tpu.dimension_semantics<core_parallel>, #tpu.dimension_semantics<subcore_parallel>], iteration_bounds = array<i64: 2, 16>, scalar_prefetch = 0 : i64, scratch_operands = 5 : i64, tpu.core_type = #tpu.core_type<sc_vector_subcore>, window_params = [{transform_indices = #map}, {transform_indices = #map1}, {transform_indices = #map1}, {transform_indices = #map1}]} {
    %mul3A = arith.constant 2 : i32
    %mul3A_0 = arith.muli %arg1, %mul3A : i32
    %add3A = arith.addi %mul3A_0, %arg0 : i32
    "tpu.region"() ({
      %run_scoped3A = tpu.sem_alloc : memref<!tpu.dma_semaphore, #tpu.memory_space<semaphore_mem>>
      tpu.enqueue_dma source(%arg4 : memref<16xf32, #tpu.memory_space<hbm>>) target(%arg9 : memref<16xf32, #tpu.memory_space<vmem>>) target_semaphore(%run_scoped3A : memref<!tpu.dma_semaphore, #tpu.memory_space<semaphore_mem>>)
      tpu.wait_dma2 semaphore(%run_scoped3A : memref<!tpu.dma_semaphore, #tpu.memory_space<semaphore_mem>>) src(%arg4 : memref<16xf32, #tpu.memory_space<hbm>>) dst(%arg9 : memref<16xf32, #tpu.memory_space<vmem>>)
      tpu.yield
    }) : () -> ()
    %mul3A_1 = arith.constant 128 : i32
    %mul3A_2 = arith.muli %add3A, %mul3A_1 : i32
    "tpu.region"() ({
      %run_scoped3A = tpu.sem_alloc : memref<!tpu.dma_semaphore, #tpu.memory_space<semaphore_mem>>
      %dma_start3A = arith.constant 0 : i32
      %dma_start3A_67 = tpu.memref_slice %arg2[%dma_start3A, %mul3A_2] : memref<200x4096xi32, #tpu.memory_space<hbm>> -> memref<200x128xi32, #tpu.memory_space<hbm>>
      %dma_start3A_68 = arith.constant 0 : i32
      %dma_start3A_69 = tpu.memref_slice %arg2[%dma_start3A_68, %mul3A_2] : memref<200x4096xi32, #tpu.memory_space<hbm>> -> memref<200x128xi32, #tpu.memory_space<hbm>>
      tpu.enqueue_dma source(%dma_start3A_69 : memref<200x128xi32, #tpu.memory_space<hbm>>) target(%arg6 : memref<200x128xi32, #tpu.memory_space<vmem>>) target_semaphore(%run_scoped3A : memref<!tpu.dma_semaphore, #tpu.memory_space<semaphore_mem>>)
      %dma_wait3A_70 = arith.constant 0 : i32
      %dma_wait3A_71 = tpu.memref_slice %arg2[%dma_wait3A_70, %mul3A_2] : memref<200x4096xi32, #tpu.memory_space<hbm>> -> memref<200x128xi32, #tpu.memory_space<hbm>>
      %dma_wait3A_72 = arith.constant 0 : i32
      %dma_wait3A_73 = tpu.memref_slice %arg2[%dma_wait3A_72, %mul3A_2] : memref<200x4096xi32, #tpu.memory_space<hbm>> -> memref<200x128xi32, #tpu.memory_space<hbm>>
      tpu.wait_dma2 semaphore(%run_scoped3A : memref<!tpu.dma_semaphore, #tpu.memory_space<semaphore_mem>>) src(%dma_wait3A_73 : memref<200x128xi32, #tpu.memory_space<hbm>>) dst(%arg6 : memref<200x128xi32, #tpu.memory_space<vmem>>)
      tpu.yield
    }) : () -> ()
    %scan3A = arith.constant 0 : i32
    %scan3A_3 = arith.constant 200 : i32
    %scan3A_4 = arith.addi %scan3A, %scan3A_3 : i32
    %scan3A_5 = arith.constant 1 : i32
    scf.for %scan3A_67 = %scan3A to %scan3A_4 step %scan3A_5  : i32 {
      %mul3A_68 = arith.constant 1 : i32
      %mul3A_69 = arith.muli %scan3A_67, %mul3A_68 : i32
      %add3A_70 = arith.constant 0 : i32
      %add3A_71 = arith.addi %add3A_70, %mul3A_69 : i32
      %mul3A_72 = arith.constant 128 : i32
      %mul3A_73 = arith.muli %add3A_71, %mul3A_72 : i32
      %dma_start3A = tpu.memref_slice %arg7[%mul3A_73] : memref<25600xf32, #tpu.memory_space<vmem>> -> memref<128xf32, #tpu.memory_space<vmem>>
      %dma_start3A_74 = arith.constant 0 : i32
      %dma_start3A_75 = tpu.memref_slice %arg6[%add3A_71, %dma_start3A_74] : memref<200x128xi32, #tpu.memory_space<vmem>> -> memref<1x128xi32, #tpu.memory_space<vmem>>
      %dma_start3A_76 = tpu.memref_squeeze %dma_start3A_75 : memref<1x128xi32, #tpu.memory_space<vmem>> -> memref<128xi32, #tpu.memory_space<vmem>>
      %dma_start3A_77 = arith.constant 0 : i32
      %dma_start3A_78 = tpu.memref_slice %arg3[%dma_start3A_77] : memref<1048576xf32, #tpu.memory_space<hbm>> -> memref<1048576xf32, #tpu.memory_space<hbm>>
      tpu.enqueue_indirect_dma source(%dma_start3A_78 : memref<1048576xf32, #tpu.memory_space<hbm>>) target(%dma_start3A : memref<128xf32, #tpu.memory_space<vmem>>) offsets(%dma_start3A_76 : memref<128xi32, #tpu.memory_space<vmem>>) semaphore(%arg10 : memref<!tpu.dma_semaphore, #tpu.memory_space<semaphore_mem>>)
    }
    %scan3A_6 = arith.constant 200 : i32
    %dma_wait3A = arith.constant 0 : i32
    %dma_wait3A_7 = tpu.memref_slice %arg3[%dma_wait3A] : memref<1048576xf32, #tpu.memory_space<hbm>> -> memref<25600xf32, #tpu.memory_space<hbm>>
    %dma_wait3A_8 = arith.constant 0 : i32
    %dma_wait3A_9 = tpu.memref_slice %arg3[%dma_wait3A_8] : memref<1048576xf32, #tpu.memory_space<hbm>> -> memref<25600xf32, #tpu.memory_space<hbm>>
    tpu.wait_dma2 semaphore(%arg10 : memref<!tpu.dma_semaphore, #tpu.memory_space<semaphore_mem>>) src(%dma_wait3A_9 : memref<25600xf32, #tpu.memory_space<hbm>>) dst(%arg7 : memref<25600xf32, #tpu.memory_space<vmem>>)
    %get3A = arith.constant 0 : index
    %get3A_10 = tpu.vector_load %arg9[%get3A] {strides = array<i32>} : memref<16xf32, #tpu.memory_space<vmem>>, vector<16xf32>,
    %broadcast_in_dim3A = arith.constant 0.000000e+00 : f32
    %broadcast_in_dim3A_11 = vector.broadcast %broadcast_in_dim3A : f32 to vector<16xf32>
    %scan3A_12 = arith.constant 0 : i32
    %scan3A_13 = arith.constant 200 : i32
    %scan3A_14 = arith.addi %scan3A_12, %scan3A_13 : i32
    %scan3A_15 = arith.constant 4 : i32
    %scan3A_16:8 = scf.for %scan3A_67 = %scan3A_12 to %scan3A_14 step %scan3A_15 iter_args(%scan3A_68 = %broadcast_in_dim3A_11, %scan3A_69 = %broadcast_in_dim3A_11, %scan3A_70 = %broadcast_in_dim3A_11, %scan3A_71 = %broadcast_in_dim3A_11, %scan3A_72 = %broadcast_in_dim3A_11, %scan3A_73 = %broadcast_in_dim3A_11, %scan3A_74 = %broadcast_in_dim3A_11, %scan3A_75 = %broadcast_in_dim3A_11) -> (vector<16xf32>, vector<16xf32>, vector<16xf32>, vector<16xf32>, vector<16xf32>, vector<16xf32>, vector<16xf32>, vector<16xf32>)  : i32 {
      %mul3A_76 = arith.constant 128 : i32
      %mul3A_77 = arith.muli %scan3A_67, %mul3A_76 : i32
      %add3A_78 = arith.constant 0 : i32
      %add3A_79 = arith.addi %mul3A_77, %add3A_78 : i32
      %get3A_80 = arith.index_cast %add3A_79 : i32 to index
      %get3A_81 = tpu.vector_load %arg7[%get3A_80] {strides = array<i32>} : memref<25600xf32, #tpu.memory_space<vmem>>, vector<16xf32>,
      %add3A_82 = arith.addf %scan3A_68, %get3A_81 : vector<16xf32>
      %add3A_83 = arith.constant 16 : i32
      %add3A_84 = arith.addi %mul3A_77, %add3A_83 : i32
      %get3A_85 = arith.index_cast %add3A_84 : i32 to index
      %get3A_86 = tpu.vector_load %arg7[%get3A_85] {strides = array<i32>} : memref<25600xf32, #tpu.memory_space<vmem>>, vector<16xf32>,
      %add3A_87 = arith.addf %scan3A_69, %get3A_86 : vector<16xf32>
      %add3A_88 = arith.constant 32 : i32
      %add3A_89 = arith.addi %mul3A_77, %add3A_88 : i32
      %get3A_90 = arith.index_cast %add3A_89 : i32 to index
      %get3A_91 = tpu.vector_load %arg7[%get3A_90] {strides = array<i32>} : memref<25600xf32, #tpu.memory_space<vmem>>, vector<16xf32>,
      %add3A_92 = arith.addf %scan3A_70, %get3A_91 : vector<16xf32>
      %add3A_93 = arith.constant 48 : i32
      %add3A_94 = arith.addi %mul3A_77, %add3A_93 : i32
      %get3A_95 = arith.index_cast %add3A_94 : i32 to index
      %get3A_96 = tpu.vector_load %arg7[%get3A_95] {strides = array<i32>} : memref<25600xf32, #tpu.memory_space<vmem>>, vector<16xf32>,
      %add3A_97 = arith.addf %scan3A_71, %get3A_96 : vector<16xf32>
      %add3A_98 = arith.constant 64 : i32
      %add3A_99 = arith.addi %mul3A_77, %add3A_98 : i32
      %get3A_100 = arith.index_cast %add3A_99 : i32 to index
      %get3A_101 = tpu.vector_load %arg7[%get3A_100] {strides = array<i32>} : memref<25600xf32, #tpu.memory_space<vmem>>, vector<16xf32>,
      %add3A_102 = arith.addf %scan3A_72, %get3A_101 : vector<16xf32>
      %add3A_103 = arith.constant 80 : i32
      %add3A_104 = arith.addi %mul3A_77, %add3A_103 : i32
      %get3A_105 = arith.index_cast %add3A_104 : i32 to index
      %get3A_106 = tpu.vector_load %arg7[%get3A_105] {strides = array<i32>} : memref<25600xf32, #tpu.memory_space<vmem>>, vector<16xf32>,
      %add3A_107 = arith.addf %scan3A_73, %get3A_106 : vector<16xf32>
      %add3A_108 = arith.constant 96 : i32
      %add3A_109 = arith.addi %mul3A_77, %add3A_108 : i32
      %get3A_110 = arith.index_cast %add3A_109 : i32 to index
      %get3A_111 = tpu.vector_load %arg7[%get3A_110] {strides = array<i32>} : memref<25600xf32, #tpu.memory_space<vmem>>, vector<16xf32>,
      %add3A_112 = arith.addf %scan3A_74, %get3A_111 : vector<16xf32>
      %add3A_113 = arith.constant 112 : i32
      %add3A_114 = arith.addi %mul3A_77, %add3A_113 : i32
      %get3A_115 = arith.index_cast %add3A_114 : i32 to index
      %get3A_116 = tpu.vector_load %arg7[%get3A_115] {strides = array<i32>} : memref<25600xf32, #tpu.memory_space<vmem>>, vector<16xf32>,
      %add3A_117 = arith.addf %scan3A_75, %get3A_116 : vector<16xf32>
      %scan3A_118 = arith.constant 1 : i32
      %scan3A_119 = arith.addi %scan3A_67, %scan3A_118 : i32
      %mul3A_120 = arith.constant 128 : i32
      %mul3A_121 = arith.muli %scan3A_119, %mul3A_120 : i32
      %add3A_122 = arith.constant 0 : i32
      %add3A_123 = arith.addi %mul3A_121, %add3A_122 : i32
      %get3A_124 = arith.index_cast %add3A_123 : i32 to index
      %get3A_125 = tpu.vector_load %arg7[%get3A_124] {strides = array<i32>} : memref<25600xf32, #tpu.memory_space<vmem>>, vector<16xf32>,
      %add3A_126 = arith.addf %add3A_82, %get3A_125 : vector<16xf32>
      %add3A_127 = arith.constant 16 : i32
      %add3A_128 = arith.addi %mul3A_121, %add3A_127 : i32
      %get3A_129 = arith.index_cast %add3A_128 : i32 to index
      %get3A_130 = tpu.vector_load %arg7[%get3A_129] {strides = array<i32>} : memref<25600xf32, #tpu.memory_space<vmem>>, vector<16xf32>,
      %add3A_131 = arith.addf %add3A_87, %get3A_130 : vector<16xf32>
      %add3A_132 = arith.constant 32 : i32
      %add3A_133 = arith.addi %mul3A_121, %add3A_132 : i32
      %get3A_134 = arith.index_cast %add3A_133 : i32 to index
      %get3A_135 = tpu.vector_load %arg7[%get3A_134] {strides = array<i32>} : memref<25600xf32, #tpu.memory_space<vmem>>, vector<16xf32>,
      %add3A_136 = arith.addf %add3A_92, %get3A_135 : vector<16xf32>
      %add3A_137 = arith.constant 48 : i32
      %add3A_138 = arith.addi %mul3A_121, %add3A_137 : i32
      %get3A_139 = arith.index_cast %add3A_138 : i32 to index
      %get3A_140 = tpu.vector_load %arg7[%get3A_139] {strides = array<i32>} : memref<25600xf32, #tpu.memory_space<vmem>>, vector<16xf32>,
      %add3A_141 = arith.addf %add3A_97, %get3A_140 : vector<16xf32>
      %add3A_142 = arith.constant 64 : i32
      %add3A_143 = arith.addi %mul3A_121, %add3A_142 : i32
      %get3A_144 = arith.index_cast %add3A_143 : i32 to index
      %get3A_145 = tpu.vector_load %arg7[%get3A_144] {strides = array<i32>} : memref<25600xf32, #tpu.memory_space<vmem>>, vector<16xf32>,
      %add3A_146 = arith.addf %add3A_102, %get3A_145 : vector<16xf32>
      %add3A_147 = arith.constant 80 : i32
      %add3A_148 = arith.addi %mul3A_121, %add3A_147 : i32
      %get3A_149 = arith.index_cast %add3A_148 : i32 to index
      %get3A_150 = tpu.vector_load %arg7[%get3A_149] {strides = array<i32>} : memref<25600xf32, #tpu.memory_space<vmem>>, vector<16xf32>,
      %add3A_151 = arith.addf %add3A_107, %get3A_150 : vector<16xf32>
      %add3A_152 = arith.constant 96 : i32
      %add3A_153 = arith.addi %mul3A_121, %add3A_152 : i32
      %get3A_154 = arith.index_cast %add3A_153 : i32 to index
      %get3A_155 = tpu.vector_load %arg7[%get3A_154] {strides = array<i32>} : memref<25600xf32, #tpu.memory_space<vmem>>, vector<16xf32>,
      %add3A_156 = arith.addf %add3A_112, %get3A_155 : vector<16xf32>
      %add3A_157 = arith.constant 112 : i32
      %add3A_158 = arith.addi %mul3A_121, %add3A_157 : i32
      %get3A_159 = arith.index_cast %add3A_158 : i32 to index
      %get3A_160 = tpu.vector_load %arg7[%get3A_159] {strides = array<i32>} : memref<25600xf32, #tpu.memory_space<vmem>>, vector<16xf32>,
      %add3A_161 = arith.addf %add3A_117, %get3A_160 : vector<16xf32>
      %scan3A_162 = arith.constant 2 : i32
      %scan3A_163 = arith.addi %scan3A_67, %scan3A_162 : i32
      %mul3A_164 = arith.constant 128 : i32
      %mul3A_165 = arith.muli %scan3A_163, %mul3A_164 : i32
      %add3A_166 = arith.constant 0 : i32
      %add3A_167 = arith.addi %mul3A_165, %add3A_166 : i32
      %get3A_168 = arith.index_cast %add3A_167 : i32 to index
      %get3A_169 = tpu.vector_load %arg7[%get3A_168] {strides = array<i32>} : memref<25600xf32, #tpu.memory_space<vmem>>, vector<16xf32>,
      %add3A_170 = arith.addf %add3A_126, %get3A_169 : vector<16xf32>
      %add3A_171 = arith.constant 16 : i32
      %add3A_172 = arith.addi %mul3A_165, %add3A_171 : i32
      %get3A_173 = arith.index_cast %add3A_172 : i32 to index
      %get3A_174 = tpu.vector_load %arg7[%get3A_173] {strides = array<i32>} : memref<25600xf32, #tpu.memory_space<vmem>>, vector<16xf32>,
      %add3A_175 = arith.addf %add3A_131, %get3A_174 : vector<16xf32>
      %add3A_176 = arith.constant 32 : i32
      %add3A_177 = arith.addi %mul3A_165, %add3A_176 : i32
      %get3A_178 = arith.index_cast %add3A_177 : i32 to index
      %get3A_179 = tpu.vector_load %arg7[%get3A_178] {strides = array<i32>} : memref<25600xf32, #tpu.memory_space<vmem>>, vector<16xf32>,
      %add3A_180 = arith.addf %add3A_136, %get3A_179 : vector<16xf32>
      %add3A_181 = arith.constant 48 : i32
      %add3A_182 = arith.addi %mul3A_165, %add3A_181 : i32
      %get3A_183 = arith.index_cast %add3A_182 : i32 to index
      %get3A_184 = tpu.vector_load %arg7[%get3A_183] {strides = array<i32>} : memref<25600xf32, #tpu.memory_space<vmem>>, vector<16xf32>,
      %add3A_185 = arith.addf %add3A_141, %get3A_184 : vector<16xf32>
      %add3A_186 = arith.constant 64 : i32
      %add3A_187 = arith.addi %mul3A_165, %add3A_186 : i32
      %get3A_188 = arith.index_cast %add3A_187 : i32 to index
      %get3A_189 = tpu.vector_load %arg7[%get3A_188] {strides = array<i32>} : memref<25600xf32, #tpu.memory_space<vmem>>, vector<16xf32>,
      %add3A_190 = arith.addf %add3A_146, %get3A_189 : vector<16xf32>
      %add3A_191 = arith.constant 80 : i32
      %add3A_192 = arith.addi %mul3A_165, %add3A_191 : i32
      %get3A_193 = arith.index_cast %add3A_192 : i32 to index
      %get3A_194 = tpu.vector_load %arg7[%get3A_193] {strides = array<i32>} : memref<25600xf32, #tpu.memory_space<vmem>>, vector<16xf32>,
      %add3A_195 = arith.addf %add3A_151, %get3A_194 : vector<16xf32>
      %add3A_196 = arith.constant 96 : i32
      %add3A_197 = arith.addi %mul3A_165, %add3A_196 : i32
      %get3A_198 = arith.index_cast %add3A_197 : i32 to index
      %get3A_199 = tpu.vector_load %arg7[%get3A_198] {strides = array<i32>} : memref<25600xf32, #tpu.memory_space<vmem>>, vector<16xf32>,
      %add3A_200 = arith.addf %add3A_156, %get3A_199 : vector<16xf32>
      %add3A_201 = arith.constant 112 : i32
      %add3A_202 = arith.addi %mul3A_165, %add3A_201 : i32
      %get3A_203 = arith.index_cast %add3A_202 : i32 to index
      %get3A_204 = tpu.vector_load %arg7[%get3A_203] {strides = array<i32>} : memref<25600xf32, #tpu.memory_space<vmem>>, vector<16xf32>,
      %add3A_205 = arith.addf %add3A_161, %get3A_204 : vector<16xf32>
      %scan3A_206 = arith.constant 3 : i32
      %scan3A_207 = arith.addi %scan3A_67, %scan3A_206 : i32
      %mul3A_208 = arith.constant 128 : i32
      %mul3A_209 = arith.muli %scan3A_207, %mul3A_208 : i32
      %add3A_210 = arith.constant 0 : i32
      %add3A_211 = arith.addi %mul3A_209, %add3A_210 : i32
      %get3A_212 = arith.index_cast %add3A_211 : i32 to index
      %get3A_213 = tpu.vector_load %arg7[%get3A_212] {strides = array<i32>} : memref<25600xf32, #tpu.memory_space<vmem>>, vector<16xf32>,
      %add3A_214 = arith.addf %add3A_170, %get3A_213 : vector<16xf32>
      %add3A_215 = arith.constant 16 : i32
      %add3A_216 = arith.addi %mul3A_209, %add3A_215 : i32
      %get3A_217 = arith.index_cast %add3A_216 : i32 to index
      %get3A_218 = tpu.vector_load %arg7[%get3A_217] {strides = array<i32>} : memref<25600xf32, #tpu.memory_space<vmem>>, vector<16xf32>,
      %add3A_219 = arith.addf %add3A_175, %get3A_218 : vector<16xf32>
      %add3A_220 = arith.constant 32 : i32
      %add3A_221 = arith.addi %mul3A_209, %add3A_220 : i32
      %get3A_222 = arith.index_cast %add3A_221 : i32 to index
      %get3A_223 = tpu.vector_load %arg7[%get3A_222] {strides = array<i32>} : memref<25600xf32, #tpu.memory_space<vmem>>, vector<16xf32>,
      %add3A_224 = arith.addf %add3A_180, %get3A_223 : vector<16xf32>
      %add3A_225 = arith.constant 48 : i32
      %add3A_226 = arith.addi %mul3A_209, %add3A_225 : i32
      %get3A_227 = arith.index_cast %add3A_226 : i32 to index
      %get3A_228 = tpu.vector_load %arg7[%get3A_227] {strides = array<i32>} : memref<25600xf32, #tpu.memory_space<vmem>>, vector<16xf32>,
      %add3A_229 = arith.addf %add3A_185, %get3A_228 : vector<16xf32>
      %add3A_230 = arith.constant 64 : i32
      %add3A_231 = arith.addi %mul3A_209, %add3A_230 : i32
      %get3A_232 = arith.index_cast %add3A_231 : i32 to index
      %get3A_233 = tpu.vector_load %arg7[%get3A_232] {strides = array<i32>} : memref<25600xf32, #tpu.memory_space<vmem>>, vector<16xf32>,
      %add3A_234 = arith.addf %add3A_190, %get3A_233 : vector<16xf32>
      %add3A_235 = arith.constant 80 : i32
      %add3A_236 = arith.addi %mul3A_209, %add3A_235 : i32
      %get3A_237 = arith.index_cast %add3A_236 : i32 to index
      %get3A_238 = tpu.vector_load %arg7[%get3A_237] {strides = array<i32>} : memref<25600xf32, #tpu.memory_space<vmem>>, vector<16xf32>,
      %add3A_239 = arith.addf %add3A_195, %get3A_238 : vector<16xf32>
      %add3A_240 = arith.constant 96 : i32
      %add3A_241 = arith.addi %mul3A_209, %add3A_240 : i32
      %get3A_242 = arith.index_cast %add3A_241 : i32 to index
      %get3A_243 = tpu.vector_load %arg7[%get3A_242] {strides = array<i32>} : memref<25600xf32, #tpu.memory_space<vmem>>, vector<16xf32>,
      %add3A_244 = arith.addf %add3A_200, %get3A_243 : vector<16xf32>
      %add3A_245 = arith.constant 112 : i32
      %add3A_246 = arith.addi %mul3A_209, %add3A_245 : i32
      %get3A_247 = arith.index_cast %add3A_246 : i32 to index
      %get3A_248 = tpu.vector_load %arg7[%get3A_247] {strides = array<i32>} : memref<25600xf32, #tpu.memory_space<vmem>>, vector<16xf32>,
      %add3A_249 = arith.addf %add3A_205, %get3A_248 : vector<16xf32>
      scf.yield %add3A_214, %add3A_219, %add3A_224, %add3A_229, %add3A_234, %add3A_239, %add3A_244, %add3A_249 : vector<16xf32>, vector<16xf32>, vector<16xf32>, vector<16xf32>, vector<16xf32>, vector<16xf32>, vector<16xf32>, vector<16xf32>
    }
    %scan3A_17 = arith.constant 200 : i32
    %mul3A_18 = arith.constant 5.000000e-03 : f32
    %mul3A_19 = vector.broadcast %mul3A_18 : f32 to vector<16xf32>
    %mul3A_20 = arith.mulf %scan3A_16#0, %mul3A_19 : vector<16xf32>
    %add3A_21 = arith.addf %mul3A_20, %get3A_10 : vector<16xf32>
    %swap3A = arith.constant 0 : index
    %swap3A_22 = tpu.vector_load %arg8[%swap3A] {strides = array<i32>} : memref<128xf32, #tpu.memory_space<vmem>>, vector<16xf32>,
    tpu.vector_store %arg8[%swap3A], %add3A_21 {strides = array<i32>} : memref<128xf32, #tpu.memory_space<vmem>>, vector<16xf32>,
    %mul3A_23 = arith.constant 5.000000e-03 : f32
    %mul3A_24 = vector.broadcast %mul3A_23 : f32 to vector<16xf32>
    %mul3A_25 = arith.mulf %scan3A_16#1, %mul3A_24 : vector<16xf32>
    %add3A_26 = arith.addf %mul3A_25, %get3A_10 : vector<16xf32>
    %swap3A_27 = arith.constant 16 : index
    %swap3A_28 = tpu.vector_load %arg8[%swap3A_27] {strides = array<i32>} : memref<128xf32, #tpu.memory_space<vmem>>, vector<16xf32>,
    tpu.vector_store %arg8[%swap3A_27], %add3A_26 {strides = array<i32>} : memref<128xf32, #tpu.memory_space<vmem>>, vector<16xf32>,
    %mul3A_29 = arith.constant 5.000000e-03 : f32
    %mul3A_30 = vector.broadcast %mul3A_29 : f32 to vector<16xf32>
    %mul3A_31 = arith.mulf %scan3A_16#2, %mul3A_30 : vector<16xf32>
    %add3A_32 = arith.addf %mul3A_31, %get3A_10 : vector<16xf32>
    %swap3A_33 = arith.constant 32 : index
    %swap3A_34 = tpu.vector_load %arg8[%swap3A_33] {strides = array<i32>} : memref<128xf32, #tpu.memory_space<vmem>>, vector<16xf32>,
    tpu.vector_store %arg8[%swap3A_33], %add3A_32 {strides = array<i32>} : memref<128xf32, #tpu.memory_space<vmem>>, vector<16xf32>,
    %mul3A_35 = arith.constant 5.000000e-03 : f32
    %mul3A_36 = vector.broadcast %mul3A_35 : f32 to vector<16xf32>
    %mul3A_37 = arith.mulf %scan3A_16#3, %mul3A_36 : vector<16xf32>
    %add3A_38 = arith.addf %mul3A_37, %get3A_10 : vector<16xf32>
    %swap3A_39 = arith.constant 48 : index
    %swap3A_40 = tpu.vector_load %arg8[%swap3A_39] {strides = array<i32>} : memref<128xf32, #tpu.memory_space<vmem>>, vector<16xf32>,
    tpu.vector_store %arg8[%swap3A_39], %add3A_38 {strides = array<i32>} : memref<128xf32, #tpu.memory_space<vmem>>, vector<16xf32>,
    %mul3A_41 = arith.constant 5.000000e-03 : f32
    %mul3A_42 = vector.broadcast %mul3A_41 : f32 to vector<16xf32>
    %mul3A_43 = arith.mulf %scan3A_16#4, %mul3A_42 : vector<16xf32>
    %add3A_44 = arith.addf %mul3A_43, %get3A_10 : vector<16xf32>
    %swap3A_45 = arith.constant 64 : index
    %swap3A_46 = tpu.vector_load %arg8[%swap3A_45] {strides = array<i32>} : memref<128xf32, #tpu.memory_space<vmem>>, vector<16xf32>,
    tpu.vector_store %arg8[%swap3A_45], %add3A_44 {strides = array<i32>} : memref<128xf32, #tpu.memory_space<vmem>>, vector<16xf32>,
    %mul3A_47 = arith.constant 5.000000e-03 : f32
    %mul3A_48 = vector.broadcast %mul3A_47 : f32 to vector<16xf32>
    %mul3A_49 = arith.mulf %scan3A_16#5, %mul3A_48 : vector<16xf32>
    %add3A_50 = arith.addf %mul3A_49, %get3A_10 : vector<16xf32>
    %swap3A_51 = arith.constant 80 : index
    %swap3A_52 = tpu.vector_load %arg8[%swap3A_51] {strides = array<i32>} : memref<128xf32, #tpu.memory_space<vmem>>, vector<16xf32>,
    tpu.vector_store %arg8[%swap3A_51], %add3A_50 {strides = array<i32>} : memref<128xf32, #tpu.memory_space<vmem>>, vector<16xf32>,
    %mul3A_53 = arith.constant 5.000000e-03 : f32
    %mul3A_54 = vector.broadcast %mul3A_53 : f32 to vector<16xf32>
    %mul3A_55 = arith.mulf %scan3A_16#6, %mul3A_54 : vector<16xf32>
    %add3A_56 = arith.addf %mul3A_55, %get3A_10 : vector<16xf32>
    %swap3A_57 = arith.constant 96 : index
    %swap3A_58 = tpu.vector_load %arg8[%swap3A_57] {strides = array<i32>} : memref<128xf32, #tpu.memory_space<vmem>>, vector<16xf32>,
    tpu.vector_store %arg8[%swap3A_57], %add3A_56 {strides = array<i32>} : memref<128xf32, #tpu.memory_space<vmem>>, vector<16xf32>,
    %mul3A_59 = arith.constant 5.000000e-03 : f32
    %mul3A_60 = vector.broadcast %mul3A_59 : f32 to vector<16xf32>
    %mul3A_61 = arith.mulf %scan3A_16#7, %mul3A_60 : vector<16xf32>
    %add3A_62 = arith.addf %mul3A_61, %get3A_10 : vector<16xf32>
    %swap3A_63 = arith.constant 112 : index
    %swap3A_64 = tpu.vector_load %arg8[%swap3A_63] {strides = array<i32>} : memref<128xf32, #tpu.memory_space<vmem>>, vector<16xf32>,
    tpu.vector_store %arg8[%swap3A_63], %add3A_62 {strides = array<i32>} : memref<128xf32, #tpu.memory_space<vmem>>, vector<16xf32>,
    %mul3A_65 = arith.constant 128 : i32
    %mul3A_66 = arith.muli %add3A, %mul3A_65 : i32
    "tpu.region"() ({
      %run_scoped3A = tpu.sem_alloc : memref<!tpu.dma_semaphore, #tpu.memory_space<semaphore_mem>>
      %dma_start3A = tpu.memref_slice %arg5[%mul3A_66] : memref<4096xf32, #tpu.memory_space<hbm>> -> memref<128xf32, #tpu.memory_space<hbm>>
      %dma_start3A_67 = tpu.memref_slice %arg5[%mul3A_66] : memref<4096xf32, #tpu.memory_space<hbm>> -> memref<128xf32, #tpu.memory_space<hbm>>
      tpu.enqueue_dma source(%arg8 : memref<128xf32, #tpu.memory_space<vmem>>) target(%dma_start3A_67 : memref<128xf32, #tpu.memory_space<hbm>>) target_semaphore(%run_scoped3A : memref<!tpu.dma_semaphore, #tpu.memory_space<semaphore_mem>>)
      %dma_wait3A_68 = tpu.memref_slice %arg5[%mul3A_66] : memref<4096xf32, #tpu.memory_space<hbm>> -> memref<128xf32, #tpu.memory_space<hbm>>
      %dma_wait3A_69 = tpu.memref_slice %arg5[%mul3A_66] : memref<4096xf32, #tpu.memory_space<hbm>> -> memref<128xf32, #tpu.memory_space<hbm>>
      tpu.wait_dma2 semaphore(%run_scoped3A : memref<!tpu.dma_semaphore, #tpu.memory_space<semaphore_mem>>) src(%arg8 : memref<128xf32, #tpu.memory_space<vmem>>) dst(%dma_wait3A_69 : memref<128xf32, #tpu.memory_space<hbm>>)
      tpu.yield
    }) : () -> ()
    return
  }
}

module attributes {stable_mosaic.version = 14 : i64} {
  func.func @_tw_kernel(%arg0: i32, %arg1: memref<1x32xf32, #tpu.memory_space<vmem>>, %arg2: memref<32x65536xf32, #tpu.memory_space<vmem>>, %arg3: memref<65536xf32, #tpu.memory_space<vmem>>) attributes {dimension_semantics = [#tpu.dimension_semantics<arbitrary>], iteration_bounds = array<i64: 16>, scalar_prefetch = 0 : i64, scratch_operands = 0 : i64, tpu.core_type = #tpu.core_type<tc>, window_params = [{pipeline_mode = #tpu.pipeline_mode<synchronous>, transform_indices = @transform_0, window_bounds = array<i64: 1, 32>}, {transform_indices = @transform_1, window_bounds = array<i64: 32, 65536>}, {transform_indices = @transform_2, window_bounds = array<i64: 65536>}]} {
    %get3A = arith.constant 0 : index
    %get3A_0 = arith.constant 0 : index
    %get3A_1 = vector.load %arg1[%get3A, %get3A_0] : memref<1x32xf32, #tpu.memory_space<vmem>>, vector<1x32xf32>
    %get3A_2 = arith.constant 0 : index
    %get3A_3 = arith.constant 0 : index
    %get3A_4 = vector.load %arg2[%get3A_2, %get3A_3] : memref<32x65536xf32, #tpu.memory_space<vmem>>, vector<32x65536xf32>
    %dot_general3A = arith.constant dense<0.000000e+00> : vector<1x65536xf32>
    %dot_general3A_5 = tpu.matmul %get3A_1, %get3A_4, %dot_general3A {dimension_numbers = #tpu.dot_dimension_numbers<[1], [0], [0], [1], [0, 0, 1, 1], [], []>, transpose_lhs_hint = false} : vector<1x32xf32>, vector<32x65536xf32>, vector<1x65536xf32> -> vector<1x65536xf32>
    %reshape3A = vector.shape_cast %dot_general3A_5 : vector<1x65536xf32> to vector<65536xf32>
    %swap3A = arith.constant 0 : index
    %swap3A_6 = vector.load %arg3[%swap3A] : memref<65536xf32, #tpu.memory_space<vmem>>, vector<65536xf32>
    tpu.vector_store %arg3[%swap3A], %reshape3A {strides = array<i32>} : memref<65536xf32, #tpu.memory_space<vmem>>, vector<65536xf32>,
    return
  }
  func.func @transform_0(%arg0: i32) -> (i32, i32) {
    %c0_i32 = arith.constant 0 : i32
    %c0_i32_0 = arith.constant 0 : i32
    %c0_i32_1 = arith.constant 0 : i32
    return %c0_i32, %c0_i32_0 : i32, i32
  }
  func.func @transform_1(%arg0: i32) -> (i32, i32) {
    %c0_i32 = arith.constant 0 : i32
    %c0_i32_0 = arith.constant 0 : i32
    return %c0_i32, %arg0 : i32, i32
  }
  func.func @transform_2(%arg0: i32) -> i32 {
    %c0_i32 = arith.constant 0 : i32
    return %arg0 : i32
  }
}

</mosaic_0001>

<sc_bundles>
// kernel: kernel.4.cloned.1.call-start
scs
__scs_entry_jumppad:
0x0: {  	(pc) =	sbr.rel $0x88, $3  }
0x1: {  	(tag) =	ssettag $0x0;
	lr =	simm.s32 $0x1  }
0x2: {  	[smem:$0x3F9D] =	sst lr;
	_ =	strace $0xD0000000  }
0x3: {  	_ = 	snop  }
0x4: {  	_ = 	snop  }
0x5: {  	_ = 	snop  }
0x6: {  	_ = 	snop  }
0x7: {  	_ = 	snop  }
__scs_overlays_trampoline_lowered:
0x8: {  	[smem:$0x3FAC] =	sst s0  }
0x9: {  	[smem:$0x3FAD] =	sst s1  }
0xa: {  	[smem:$0x3FAE] =	sst s2  }
0xb: {  	[smem:$0x3FAF] =	sst s3  }
0xc: {  	[smem:$0x3FB0] =	sst s4  }
0xd: {  	[smem:$0x3FB1] =	sst s5  }
0xe: {  	[smem:$0x3FB2] =	sst s6  }
0xf: {  	[smem:$0x3FB3] =	sst s7  }
0x10: {  	[smem:$0x3FB4] =	sst s8  }
0x11: {  	[smem:$0x3FB5] =	sst s9;
	s0 =	simm.s32 @!p0 $0x0  }
0x12: {  	s1 =	sld [smem:$0x3F9B];
	s0 =	simm.s32 @p0 $0x1  }
0x13: {  	[smem:$0x3FB6] =	sst s0;
	s0 =	simm.s32 @!p1 $0x0  }
0x14: {  	s2 =	sld [smem:$0x3F9A];
	s0 =	simm.s32 @p1 $0x1  }
0x15: {  	[smem:$0x3FB7] =	sst s0;
	s0 =	simm.s32 @!p2 $0x0  }
0x16: {  	s3 =	sld [smem:$0x3FDB];
	s0 =	simm.s32 @p2 $0x1  }
0x17: {  	s4 =	simm.s32 $0x1BF5;
	[smem:$0x3FB9] =	sst s0  }
0x18: {  	s0 =	sld [smem:$0x3F9C];
	_ =	swait.ge [sflag:s4], $0x0  }
0x19: {  	s7 =	sld [smem:$0x3F9D]  }
0x1a: {  	s8 =	sadd.s32 $0xFFFFE003, lr  }
0x1b: {  	s9 =	sadd.s32 $0xFFFFFEF7, lr;
	s5 =	simm.s32 $0xFFFFFFFF;
	p2 =	slt.u32 s8, $0xFFFFF086  }
0x1c: {  	p1 =	slt.u32 s9, $0xF7A;
	s5 =	simm.s32 @!p2 $0x0  }
0x1d: {  	s5 =	simm.s32 @p1 $0x1;
	p0 =	seq.s32 s7, s2  }
0x1e: {  	s7 =	smul.u32 @!p0 $0xF7A, s2;
	p2 =	seq.s32 @!p0 s5, $0x0  }
0x1f: {  	s9 =	smul.u32 $0xF7A, s1;
	s8 =	simm.s32 @!p0 $0x1BF5;
	p2 =	por !p2, p0  }
0x20: {  	[sflag:s8] =	ssyncset.s32 @!p0 $0xFFFFF086;
	s6 =	sadd.s32 @!p0 s3, s7;
	s7 =	simm.s32 @!p0 $0x108  }
0x21: {  	s3 =	sadd.s32 s3, s9;
	s6 =	sadd.s32 @!p0 $0x88, s6;
	s7 =	simm.s32 @p2 $0x1082  }
0x22: {  	[simem:s7], [sflag:s8] =	dma.local @!p0 [hbm:s6], $0xF7A  }
0x23: {  	s9 =	sor.u32 $0xD0000000, s2;
	s6 =	simm.s32 $0x108;
	_ =	swait.ge @!p0 [sflag:s8], $0x0  }
0x24: {  	s3 =	sadd.s32 $0x88, s3;
	s6 =	simm.s32 @!p1 $0x1082;
	[sflag:s4] =	ssyncset.s32 $0xFFFFF086  }
0x25: {  	[simem:s6], [sflag:s4] =	dma.local [hbm:s3], $0xF7A  }
0x26: {  	[smem:$0x3F9D] =	sst s1;
	(tag) =	ssettag s2;
	_ =	strace s9  }
0x27: {  	s1 =	sld [smem:$0x3FAD]  }
0x28: {  	s2 =	sld [smem:$0x3FAE]  }
0x29: {  	s4 =	sld [smem:$0x3FB0]  }
0x2a: {  	p0 =	seq.s32 s5, $0x0;
	s5 =	sld [smem:$0x3FB1]  }
0x2b: {  	s6 =	sld [smem:$0x3FB2]  }
0x2c: {  	s7 =	sld [smem:$0x3FB3]  }
0x2d: {  	s3 =	simm.s32 $0x108;
	s8 =	sld [smem:$0x3FB4]  }
0x2e: {  	s3 =	simm.s32 @!p0 $0x1082;
	s9 =	sld [smem:$0x3FB5]  }
0x2f: {  	lr =	sadd.s32 s0, s3;
	s0 =	sld [smem:$0x3FAC]  }
0x30: {  	s3 =	sld [smem:$0x3FAF]  }
0x31: {  	[smem:$0x3FB8] =	sst s10  }
0x32: {  	s10 =	sld [smem:$0x3FB6];
	_ =	sdelay $0x3  }
0x33: {  	p0 =	seq.s32 s10, $0x1;
	s10 =	sld [smem:$0x3FB8];
	_ =	sdelay $0x3  }
0x34: {  	[smem:$0x3FB8] =	sst s10  }
0x35: {  	s10 =	sld [smem:$0x3FB7];
	_ =	sdelay $0x3  }
0x36: {  	p1 =	seq.s32 s10, $0x1;
	s10 =	sld [smem:$0x3FB8];
	_ =	sdelay $0x3  }
0x37: {  	[smem:$0x3FB8] =	sst s10  }
0x38: {  	s10 =	sld [smem:$0x3FB9]  }
0x39: {  	_ = 	snop;
	(pc) =	sbr.ind lr, $3  }
0x3a: {  	_ = 	snop  }
0x3b: {  	_ = 	snop  }
0x3c: {  	p2 =	seq.s32 s10, $0x1;
	s10 =	sld [smem:$0x3FB8]  }
0x3d: {  	_ =	shalt  }
0x3e: {  	_ =	shalt  }
0x3f: {  	_ =	shalt  }
0x40: {  	_ =	shalt  }
0x41: {  	_ =	shalt  }
0x42: {  	_ =	shalt  }
0x43: {  	_ =	shalt  }
0x44: {  	_ =	shalt  }
0x45: {  	_ =	shalt  }
0x46: {  	_ =	shalt  }
0x47: {  	_ =	shalt  }
0x48: {  	_ =	shalt  }
0x49: {  	_ =	shalt  }
0x4a: {  	_ =	shalt  }
0x4b: {  	_ =	shalt  }
0x4c: {  	_ =	shalt  }
0x4d: {  	_ =	shalt  }
0x4e: {  	_ =	shalt  }
0x4f: {  	_ =	shalt  }
0x50: {  	_ =	shalt  }
0x51: {  	_ =	shalt  }
0x52: {  	_ =	shalt  }
0x53: {  	_ =	shalt  }
0x54: {  	_ =	shalt  }
0x55: {  	_ =	shalt  }
0x56: {  	_ =	shalt  }
0x57: {  	_ =	shalt  }
0x58: {  	_ =	shalt  }
0x59: {  	_ =	shalt  }
0x5a: {  	_ =	shalt  }
0x5b: {  	_ =	shalt  }
0x5c: {  	_ =	shalt  }
0x5d: {  	_ =	shalt  }
0x5e: {  	_ =	shalt  }
0x5f: {  	_ =	shalt  }
0x60: {  	_ =	shalt  }
0x61: {  	_ =	shalt  }
0x62: {  	_ =	shalt  }
0x63: {  	_ =	shalt  }
0x64: {  	_ =	shalt  }
0x65: {  	_ =	shalt  }
0x66: {  	_ =	shalt  }
0x67: {  	_ =	shalt  }
0x68: {  	_ =	shalt  }
0x69: {  	_ =	shalt  }
0x6a: {  	_ =	shalt  }
0x6b: {  	_ =	shalt  }
0x6c: {  	_ =	shalt  }
0x6d: {  	_ =	shalt  }
0x6e: {  	_ =	shalt  }
0x6f: {  	_ =	shalt  }
0x70: {  	_ =	shalt  }
0x71: {  	_ =	shalt  }
0x72: {  	_ =	shalt  }
0x73: {  	_ =	shalt  }
0x74: {  	_ =	shalt  }
0x75: {  	_ =	shalt  }
0x76: {  	_ =	shalt  }
0x77: {  	_ =	shalt  }
0x78: {  	_ =	shalt  }
0x79: {  	_ =	shalt  }
0x7a: {  	_ =	shalt  }
0x7b: {  	_ =	shalt  }
0x7c: {  	_ =	shalt  }
0x7d: {  	_ =	shalt  }
0x7e: {  	_ =	shalt  }
0x7f: {  	_ =	shalt  }
0x80: {  	_ =	shalt  }
0x81: {  	_ =	shalt  }
0x82: {  	_ =	shalt  }
0x83: {  	_ =	shalt  }
0x84: {  	_ =	shalt  }
0x85: {  	_ =	shalt  }
0x86: {  	_ =	shalt  }
0x87: {  	_ =	shalt  }
.Lfunc_end0:
.L_simem_size_0:
called_computation_lowered:
.L_overlay_start_0:
0x88: {  	s2 =	sld [smem:$0x3FD9]  }
0x89: {  	s3 =	sld [smem:$0x3FFE];
	_ =	sdelay $0x1  }
0x8a: {  	s1 =	srdreg.scid  }
0x8b: {  	s0 =	sand.u32 $0x1, s1  }
0x8c: {  	s17 =	sshll.u32 s0, $0xA;
	s2 =	sadd.s32 s3, s2  }
0x8d: {  	s2 =	sadd.s32 s2, s17  }
0x8e: {  	[smem:$0x3FC4] =	sst s2  }
0x8f: {  	_ = 	snop  }
0x90: {  	s2 =	sld [smem:$0x3FC9]  }
0x91: {  	s18 =	sld [smem:$0x3FD0];
	(tm) =	ssettm $0x1  }
0x92: {  	s4 =	sld [smem:$0x3FFB];
	_ =	sdelay $0x3  }
0x93: {  	_ =	strace s4  }
0x94: {  	s4 =	sld [smem:$0x3FFC];
	_ =	sdelay $0x3  }
0x95: {  	_ =	strace s4  }
0x96: {  	s4 =	sld [smem:$0x3FFD];
	_ =	sdelay $0x3  }
0x97: {  	_ =	strace s4  }
0x98: {  	_ =	strace $0x8FFFFFFF  }
0x99: {  	s19 =	sld [smem:$0x3FDB];
	_ =	sdelay $0x1  }
0x9a: {  	s5 =	simm.s32 $_scs_section_size  }
0x9b: {  	s6 =	simm.s32 $_size__tile_overlayer_lowered;
	s7 =	simm.s32 $_tile_overlayer_lowered  }
0x9c: {  	s22 =	simm.s32 $0x1BFF;
	s21 =	sshll.u32 s7, $0x1;
	s4 =	sadd.s32 s5, s19  }
0x9d: {  	s8 =	simm.s32 $0x0;
	s20 =	sshll.u32 s6, $0x1;
	s6 =	sadd.s32 s21, s4  }
0x9e: {  	[timem:s8], [sflag:s22] =	dma.local [hbm:s6], s20  }
0x9f: {  	_ =	swait.ge [sflag:s22], s20  }
0xa0: {  	s5 =	ssub.s32 $0x0, s20;
	[sflag:s22] =	ssyncset.done $0x0  }
0xa1: {  	[sflag:s22] =	ssyncadd.s32 s5;
	_ =	sdelay $0x1  }
0xa2: {  	s23 =	simm.s32 $0x1B8B  }
0xa3: {  	_ =	swait.ge [sflag:s23], $0x1  }
0xa4: {  	[sflag:s23] =	ssyncset.done $0x0  }
0xa5: {  	s25 =	simm.s32 $0x1B8E;
	s24 =	sld [smem:$0x3FFE];
	[sflag:s23] =	ssyncadd.s32 $0xFFFFFFFF  }
0xa6: {  	s26 =	simm.s32 $execute0_lowered;
	[smem:$0x3FD2] =	sst s25  }
0xa7: {  	s6 =	sshll.u32 s26, $0x1;
	_ =	strace $0x80000046;
	[dreg:$0x1] =	wrdreg $0xFFFFFFFF  }
0xa8: {  	s28 =	simm.s32 $_size_execute0_lowered;
	s4 =	sadd.s32 s4, s6;
	[dreg:$0x0] =	wrdreg $0x0  }
0xa9: {  	s6 =	sshll.u32 s28, $0x1;
	[dreg:$0x2] =	wrdreg s4  }
0xaa: {  	[dreg:$0x3] =	wrdreg s6  }
0xab: {  	[dreg:$0x4] =	wrdreg $0xC0  }
0xac: {  	_ =	task [dreg:s8], $0x5FFFF  }
0xad: {  	[dreg:$0x1] =	wrdreg $0xFFFFFFFF  }
0xae: {  	[dreg:$0x0] =	wrdreg $0x60  }
0xaf: {  	[dreg:$0x2] =	wrdreg s2  }
0xb0: {  	[dreg:$0x3] =	wrdreg s24  }
0xb1: {  	[dreg:$0x4] =	wrdreg s18  }
0xb2: {  	[dreg:$0x5] =	wrdreg $0x9  }
0xb3: {  	_ =	task.clear_ibuf [dreg:s8], $0x6FFFF;
	_ =	strace $0x90000046  }
0xb4: {  	s29 =	simm.s32 $0x9;
	_ =	strace $0x80000048  }
0xb5: {  	_ =	swait.ge [sflag:s29], $0x1  }
0xb6: {  	[sflag:s29] =	ssyncadd.s32 $0xFFFFFFFF  }
0xb7: {  	_ =	strace $0x90000048  }
0xb8: {  	_ =	sfence  }
0xb9: {  	s30 =	sld [smem:$0x0];
	_ =	sdelay $0x2  }
0xba: {  	s31 =	sshll.u32 s1, $0xD;
	s1 =	sshrl.u32 s1, $0x2  }
0xbb: {  	s3 =	sand.u32 $0x4000, s31;
	s1 =	sadd.s32 s1, s30  }
0xbc: {  	s0 =	sor.u32 s3, s0;
	s1 =	sshll.u32 s1, $0x11  }
0xbd: {  	s0 =	sor.u32 s1, s0  }
0xbe: {  	s0 =	sadd.s32 $0x8F2B, s0  }
0xbf: {  	[sflag:s0] =	ssyncadd.remote.s32 $0x1  }
0xc0: {  	_ =	sfence.sel $0xFFFF  }
0xc1: {  	[dreg:$0x0] =	wrdreg $0xFFFFFFFF;
	(pc) =	sbr.abs _section_cstart, $3  }
0xc2: {  	[dreg:$0x1] =	wrdreg $0xFFFFFFFF  }
0xc3: {  	_ =	task.clear_ibuf [dreg:s8], $0x2FFFF;
	_ =	strace $0x9FFFFFFF  }
0xc4: {  	(tm) =	ssettm $0x7FFFFFFF  }
0xc5: {  	_ =	shalt  }
tec
execute0_lowered:
.L_overlay_start_1:
0x0: {  	(tag) =	ssettag $0x1  }
0x1: {  	s5 =	rddreg [dreg:$0x0]  }
0x2: {  	s4 =	rddreg [dreg:$0x1]  }
0x3: {  	s6 =	rddreg [dreg:$0x2]  }
0x4: {  	s0 =	rddreg [dreg:$0x3];
	s2 =	simm.s32 $0x0;
	s7 =	srdreg.scid  }
0x5: {  	s1 =	stileid.u32;
	s11 =	simm.s32 $0x8000;
	s12 =	simm.s32 $0x80  }
0x6: {  	s13 =	simm.s32 $0x1;
	s14 =	simm.s32 $0xC800;
	s15 =	simm.s32 $0x0  }
0x7: {  	[smem:$0x7FF] =	sst s2;
	s3 =	sadd.s32 $0x800, s4;
	s7 =	sand.u32 $0x1, s7  }
0x8: {  	s8 =	sshll.u32 s1, $0x1;
	s4 =	sadd.s32 $0x20800, s4;
	s9 =	ssub.s32 $0x2, s7  }
0x9: {  	_ =	strace $0x80000047;
	s7 =	sor.u32 s7, s8;
	s31 =	sshrl.u32 s9, $0x1  }
0xa: {  	s10 =	sshll.u32 s7, $0x7;
	s7 =	sshll.u32 s7, $0x4;
	s8 =	ssub.s32 s9, s31  }
0xb: {  	s5 =	sadd.s32 s5, s10;
	s6 =	sadd.s32 s6, s7;
	s9 =	simm.s32 $0x2  }
0xc: {  	s10 =	simm.s32 $0x400;
	s7 =	smax.u32 s8, $0x1;
	s8 =	simm.s32 $0xC880  }
.LBB2_1:
0xd: {  	[tilespmem:s8], [sflag:$0x2] =	stream.linear.gather [hbm4b:s4+s2], $0x80, $0x38;
	[tilespmem:$0xC900] =	vst v63  }
0xe: {  	_ =	swait.ge [sflag:s9], $0x80  }
0xf: {  	[sflag:s9] =	ssyncset.done $0x0  }
0x10: {  	[sflag:s9] =	ssyncadd.s32 $0xFFFFFF80  }
0x11: {  	[tilespmem:s2], [sflag:$0x2] =	stream.strided.gather [hbm4b:s5+s10], $0x6400, s11, s10, $0x38;
	[tilespmem:$0xC900] =	vst v63  }
0x12: {  	_ =	swait.ge [sflag:s9], $0x6400  }
0x13: {  	s16 =	simm.s32 $0x200;
	[sflag:s9] =	ssyncset.done $0x0  }
0x14: {  	s17 =	simm.s32 $0x0;
	s18 =	simm.s32 $0x6400;
	[sflag:s9] =	ssyncadd.s32 $0xFFFF9C00  }
.LBB2_2:
0x15: {  	[tilespmem:s18], [sflag:$0x1] =	stream.indirect.gather [hbm4b:s3+s12], $0x1, s17, s12, $0xb8;
	[tilespmem:$0xC900] =	vst v63  }
0x16: {  	s17 =	smov.u32 s16;
	p0 =	sne.s32 s16, $0x18E00  }
.Ltmp0:
0x17: {  	s16 =	sadd.s32 $0x200, s16;
	(pc) =	sbr.rel @p0 .LBB2_2-.Ltmp0, $3  }
0x18: {  	_ =	sdelay $0x1  }
0x19: {  	s17 =	sshra.s32 s17, $0x2  }
0x1a: {  	s18 =	sadd.s32 $0x6400, s17  }
0x1b: {  	[tilespmem:s18], [sflag:$0x1] =	stream.indirect.gather [hbm4b:s3+s12], $0x1, s17, s12, $0xb8;
	[tilespmem:$0xC900] =	vst v63  }
0x1c: {  	_ =	swait.ge [sflag:s13], $0x6400  }
0x1d: {  	[sflag:s13] =	ssyncset.done $0x0  }
0x1e: {  	[sflag:s13] =	ssyncadd.s32 $0xFFFF9C00  }
0x1f: {  	s31 =	simm.s32 $0x6500;
	v0 =	vld [tilespmem:$0xC880]  }
0x20: {  	v5 =	vld [tilespmem:s31+$0x80]  }
0x21: {  	v6 =	vld [tilespmem:s31+$0x90]  }
0x22: {  	v11 =	vld [tilespmem:s31+$0xA0]  }
0x23: {  	v13 =	vld [tilespmem:s31+$0xB0]  }
0x24: {  	v1 =	vld [tilespmem:s31+$0xC0]  }
0x25: {  	v2 =	vld [tilespmem:s31+$0xD0]  }
0x26: {  	v7 =	vld [tilespmem:s31+$0x0]  }
0x27: {  	v8 =	vld [tilespmem:s31+$0x10]  }
0x28: {  	v10 =	vld [tilespmem:s31+$0x20]  }
0x29: {  	v12 =	vld [tilespmem:s31+$0x30]  }
0x2a: {  	v3 =	vld [tilespmem:s31+$0x40]  }
0x2b: {  	v4 =	vld [tilespmem:s31+$0x50]  }
0x2c: {  	v9 =	vld [tilespmem:s31+$0xFFFFFF80]  }
0x2d: {  	v14 =	vld [tilespmem:s31+$0xFFFFFF90]  }
0x2e: {  	v15 =	vld [tilespmem:s31+$0xFFFFFF00]  }
0x2f: {  	v16 =	vld [tilespmem:s31+$0xFFFFFF10]  }
0x30: {  	v17 =	vld [tilespmem:s31+$0xFFFFFF20]  }
0x31: {  	v18 =	vld [tilespmem:s31+$0xFFFFFF30]  }
0x32: {  	v19 =	vld [tilespmem:s31+$0xFFFFFFA0]  }
0x33: {  	v20 =	vld [tilespmem:s31+$0xFFFFFFB0]  }
0x34: {  	v21 =	vimm.f32 $0.0e+00;
	v25 =	vld [tilespmem:s31+$0xFFFFFF50]  }
0x35: {  	v22 =	vld [tilespmem:s31+$0xFFFFFFC0];
	v15 =	vadd.f32 v15, v21;
	v16 =	vadd.f32 v16, v21  }
0x36: {  	v23 =	vld [tilespmem:s31+$0xFFFFFFD0];
	v17 =	vadd.f32 v17, v21;
	v18 =	vadd.f32 v18, v21  }
0x37: {  	v24 =	vld [tilespmem:s31+$0xFFFFFF40];
	v9 =	vadd.f32 v9, v15;
	v14 =	vadd.f32 v14, v16  }
0x38: {  	v15 =	vld [tilespmem:s31+$0xFFFFFF60];
	v16 =	vadd.f32 v19, v17;
	v17 =	vadd.f32 v20, v18  }
0x39: {  	v18 =	vld [tilespmem:s31+$0xFFFFFF70];
	v19 =	vadd.f32 v25, v21;
	v7 =	vadd.f32 v7, v9  }
0x3a: {  	v14 =	vadd.f32 v8, v14;
	v9 =	vld [tilespmem:s31+$0xFFFFFFE0];
	v16 =	vadd.f32 v10, v16  }
0x3b: {  	v17 =	vadd.f32 v12, v17;
	v12 =	vld [tilespmem:s31+$0xFFFFFFF0];
	v8 =	vadd.f32 v5, v7  }
0x3c: {  	v10 =	vld [tilespmem:s31+$0x60];
	v7 =	vadd.f32 v6, v14;
	v6 =	vadd.f32 v11, v16  }
0x3d: {  	v5 =	vadd.f32 v13, v17;
	v13 =	vadd.f32 v24, v21;
	v14 =	vld [tilespmem:s31+$0x70]  }
0x3e: {  	v11 =	vld [tilespmem:s31+$0xE0];
	v15 =	vadd.f32 v15, v21;
	v16 =	vadd.f32 v18, v21  }
0x3f: {  	s16 =	simm.s32 $0x0;
	s17 =	simm.s32 $0x6700;
	v18 =	vadd.f32 v23, v19;
	v17 =	vadd.f32 v22, v13;
	v13 =	vld [tilespmem:s31+$0xF0]  }
.LBB2_4:
0x40: {  	v19 =	vld [tilespmem:s17+$0x80];
	v9 =	vadd.f32 v9, v15;
	v12 =	vadd.f32 v12, v16  }
0x41: {  	v15 =	vld [tilespmem:s17+$0x90];
	v3 =	vadd.f32 v3, v17;
	v4 =	vadd.f32 v4, v18  }
0x42: {  	v16 =	vld [tilespmem:s17+$0xA0];
	v9 =	vadd.f32 v10, v9;
	v10 =	vadd.f32 v14, v12  }
0x43: {  	v14 =	vld [tilespmem:s17+$0xB0];
	v17 =	vadd.f32 v1, v3;
	v18 =	vadd.f32 v2, v4  }
0x44: {  	v1 =	vld [tilespmem:s17+$0xC0];
	v11 =	vadd.f32 v11, v9;
	v13 =	vadd.f32 v13, v10  }
0x45: {  	v2 =	vld [tilespmem:s17+$0xD0]  }
0x46: {  	v9 =	vld [tilespmem:s17+$0x0]  }
0x47: {  	v10 =	vld [tilespmem:s17+$0x10]  }
0x48: {  	v12 =	vld [tilespmem:s17+$0x20]  }
0x49: {  	v20 =	vld [tilespmem:s17+$0x30]  }
0x4a: {  	v3 =	vld [tilespmem:s17+$0x40]  }
0x4b: {  	v4 =	vld [tilespmem:s17+$0x50]  }
0x4c: {  	v21 =	vld [tilespmem:s17+$0xFFFFFF80]  }
0x4d: {  	v22 =	vld [tilespmem:s17+$0xFFFFFF90]  }
0x4e: {  	v23 =	vld [tilespmem:s17+$0xFFFFFF00]  }
0x4f: {  	v24 =	vld [tilespmem:s17+$0xFFFFFF10]  }
0x50: {  	v25 =	vld [tilespmem:s17+$0xFFFFFF20]  }
0x51: {  	v26 =	vld [tilespmem:s17+$0xFFFFFF30]  }
0x52: {  	v27 =	vld [tilespmem:s17+$0xFFFFFFA0]  }
0x53: {  	v28 =	vld [tilespmem:s17+$0xFFFFFFB0]  }
0x54: {  	v29 =	vld [tilespmem:s17+$0xFFFFFFC0]  }
0x55: {  	v8 =	vadd.f32 v23, v8;
	v7 =	vadd.f32 v24, v7;
	v23 =	vld [tilespmem:s17+$0xFFFFFFD0]  }
0x56: {  	v6 =	vadd.f32 v25, v6;
	v5 =	vadd.f32 v26, v5;
	v24 =	vld [tilespmem:s17+$0xFFFFFF40]  }
0x57: {  	v8 =	vadd.f32 v21, v8;
	v7 =	vadd.f32 v22, v7;
	v25 =	vld [tilespmem:s17+$0xFFFFFF50]  }
0x58: {  	v6 =	vadd.f32 v27, v6;
	v21 =	vld [tilespmem:s17+$0xFFFFFF60];
	v5 =	vadd.f32 v28, v5  }
0x59: {  	s16 =	sadd.s32 $0x4, s16;
	v8 =	vadd.f32 v9, v8;
	v7 =	vadd.f32 v10, v7;
	v22 =	vld [tilespmem:s17+$0xFFFFFF70]  }
0x5a: {  	p0 =	slt.u32 s16, $0xC4;
	v6 =	vadd.f32 v12, v6;
	v9 =	vld [tilespmem:s17+$0xFFFFFFE0];
	v5 =	vadd.f32 v20, v5  }
.Ltmp1:
0x5b: {  	v8 =	vadd.f32 v19, v8;
	v7 =	vadd.f32 v15, v7;
	v12 =	vld [tilespmem:s17+$0xFFFFFFF0];
	(pc) =	sbr.rel @p0 .LBB2_4-.Ltmp1, $4  }
0x5c: {  	v6 =	vadd.f32 v16, v6;
	v10 =	vld [tilespmem:s17+$0x60];
	v5 =	vadd.f32 v14, v5  }
0x5d: {  	v17 =	vadd.f32 v24, v17;
	v18 =	vadd.f32 v25, v18;
	v14 =	vld [tilespmem:s17+$0x70]  }
0x5e: {  	v15 =	vadd.f32 v21, v11;
	v16 =	vadd.f32 v22, v13;
	v11 =	vld [tilespmem:s17+$0xE0]  }
0x5f: {  	v17 =	vadd.f32 v29, v17;
	v18 =	vadd.f32 v23, v18;
	v13 =	vld [tilespmem:s17+$0xF0];
	s17 =	sadd.s32 $0x200, s17  }
0x60: {  	v9 =	vadd.f32 v9, v15;
	v12 =	vadd.f32 v12, v16  }
0x61: {  	v8 =	vmul.f32 $4.999999890e-03, v8;
	v3 =	vadd.f32 v3, v17;
	v4 =	vadd.f32 v4, v18  }
0x62: {  	v7 =	vmul.f32 $4.999999890e-03, v7;
	v9 =	vadd.f32 v10, v9;
	v53 =	vadd.f32 v14, v12  }
0x63: {  	v6 =	vmul.f32 $4.999999890e-03, v6;
	v54 =	vadd.f32 v8, v0;
	v1 =	vadd.f32 v1, v3  }
0x64: {  	v5 =	vmul.f32 $4.999999890e-03, v5;
	v55 =	vadd.f32 v7, v0;
	v2 =	vadd.f32 v2, v4  }
0x65: {  	v57 =	vadd.f32 v6, v0;
	v56 =	vadd.f32 v11, v9;
	[tilespmem:$0xC800] =	vst v54;
	v1 =	vmul.f32 $4.999999890e-03, v1  }
0x66: {  	v59 =	vadd.f32 v5, v0;
	v58 =	vadd.f32 v13, v53;
	[tilespmem:$0xC810] =	vst v55;
	v2 =	vmul.f32 $4.999999890e-03, v2  }
0x67: {  	[tilespmem:$0xC820] =	vst v57;
	v60 =	vmul.f32 $4.999999890e-03, v56;
	v1 =	vadd.f32 v1, v0  }
0x68: {  	[tilespmem:$0xC830] =	vst v59;
	v61 =	vmul.f32 $4.999999890e-03, v58;
	v2 =	vadd.f32 v2, v0  }
0x69: {  	v62 =	vadd.f32 v60, v0;
	[tilespmem:$0xC840] =	vst v1  }
0x6a: {  	s15 =	sadd.s32 $0x1, s15;
	v63 =	vadd.f32 v61, v0;
	[tilespmem:$0xC850] =	vst v2  }
0x6b: {  	p0 =	sne.s32 s15, s7;
	[tilespmem:$0xC860] =	vst v62  }
.Ltmp2:
0x6c: {  	[tilespmem:$0xC870] =	vst v63;
	(pc) =	sbr.rel @p0 .LBB2_1-.Ltmp2, $4  }
0x6d: {  	[hbm4b:s6+s2] =	stream.linear.scatter [tilespmem:s14], [sflag:$0x2], $0x80, $0x38;
	[tilespmem:$0xC900] =	vst v63  }
0x6e: {  	_ =	swait.ge [sflag:s9], $0x80  }
0x6f: {  	[sflag:s9] =	ssyncset.done $0x0  }
0x70: {  	[sflag:s9] =	ssyncadd.s32 $0xFFFFFF80  }
0x71: {  	_ =	sfence.sel $0x180000  }
0x72: {  	[bflag:$0x0] =	sbarrier.arrive $0xFFFF  }
0x73: {  	p0 =	sne.s32 s1, $0x0;
	_ =	strace $0x90000047  }
0x74: {  	s0 =	sadd.s32 @!p0 $0x100000, s0;
	[bflag:$0x2] =	sbarrier.arrive $0xFFFF  }
0x75: {  	[sflag:s0] =	ssyncadd.tile.s32 @!p0 $0x1;
	_ =	shalt  }
.Lfunc_end2:
_tile_overlayer_lowered:
.L_overlay_start_2:
0x76: {  	(tag) =	ssettag $0x2  }
0x77: {  	s0 =	rddreg [dreg:$0x0];
	s2 =	stileid.u32  }
0x78: {  	s1 =	rddreg [dreg:$0x1];
	p0 =	sne.s32 s2, $0x0  }
0x79: {  	s3 =	rddreg [dreg:$0x2];
	[bflag:$0x3] =	sbarrier.arrive $0xFFFF;
	s2 =	simm.s32 @!p0 $0x1C02  }
0x7a: {  	[timem:s3], [sflag:s2] =	dma.local @!p0 [hbm:s0], s1  }
0x7b: {  	s0 =	simm.s32 @!p0 $0x2  }
0x7c: {  	_ =	swait.ge @!p0 [sflag:s0], s1  }
0x7d: {  	s1 =	ssub.s32 @!p0 $0x0, s1;
	[sflag:s0] =	ssyncset.done @!p0 $0x0  }
0x7e: {  	[sflag:s0] =	ssyncadd.s32 @!p0 s1  }
0x7f: {  	[bflag:$0x3] =	sbarrier.arrive $0xFFFF  }
0x80: {  	_ =	shalt  }

</sc_bundles>
